<compile_context>
chip_gen: v7x
topology: tpu7x:2x2x1
jax: 0.10.2.dev20260603
libtpu: 0.0.44.dev20260713+nightly
codegen_flags: <defaults>
</compile_context>

<pallas_src>
import functools
import math

import jax
import jax.numpy as jnp
from jax import lax
from jax.experimental import pallas as pl
from jax.experimental.pallas import tpu as pltpu
from jax.experimental.pallas import tpu_sc as plsc

_MAX_STEP = 1000
_EMBED = 256
_HIDDEN = 256
_BATCH = 16384
_TPAD = 1024
_DOUT = 2 * _HIDDEN

_NUM_CORES = 2
_NUM_SUBCORES = 16
_NW = _NUM_CORES * _NUM_SUBCORES
_B_PER_W = _BATCH // _NW
_CHUNK = 64
_NCHUNK = _B_PER_W // _CHUNK


def _mlp_table_body(w1r_ref, w1i_ref, b1r_ref, b1i_ref,
                    w2r_il_ref, w2i_il_ref, b2_il_ref, out_ref):
    ab = lax.broadcasted_iota(jnp.int32, (32, _EMBED), 0).astype(jnp.float32)
    k = lax.broadcasted_iota(jnp.int32, (32, _EMBED), 1).astype(jnp.float32)
    freq = jnp.exp((k * (-math.log(_MAX_STEP))) / _EMBED)
    arg_a = (ab * 32.0) * freq
    arg_b = ab * freq
    ca, sa = jnp.cos(arg_a), jnp.sin(arg_a)
    cb, sb = jnp.cos(arg_b), jnp.sin(arg_b)
    cA = jnp.broadcast_to(ca[:, None, :], (32, 32, _EMBED)).reshape(_TPAD, _EMBED)
    sA = jnp.broadcast_to(sa[:, None, :], (32, 32, _EMBED)).reshape(_TPAD, _EMBED)
    cB = jnp.broadcast_to(cb[None, :, :], (32, 32, _EMBED)).reshape(_TPAD, _EMBED)
    sB = jnp.broadcast_to(sb[None, :, :], (32, 32, _EMBED)).reshape(_TPAD, _EMBED)
    xr = cA * cB - sA * sB
    xi = sA * cB + cA * sB
    hr = (jnp.dot(xr, w1r_ref[:], preferred_element_type=jnp.float32)
          - jnp.dot(xi, w1i_ref[:], preferred_element_type=jnp.float32)
          + b1r_ref[:])
    hi = (jnp.dot(xr, w1i_ref[:], preferred_element_type=jnp.float32)
          + jnp.dot(xi, w1r_ref[:], preferred_element_type=jnp.float32)
          + b1i_ref[:])
    sr = hr * (1.0 / (1.0 + jnp.exp(-hr)))
    si = hi * (1.0 / (1.0 + jnp.exp(-hi)))
    out_ref[:] = (jnp.dot(sr, w2r_il_ref[:], preferred_element_type=jnp.float32)
                  + jnp.dot(si, w2i_il_ref[:], preferred_element_type=jnp.float32)
                  + b2_il_ref[:])


_mlp_table = pl.pallas_call(
    _mlp_table_body,
    out_shape=jax.ShapeDtypeStruct((_TPAD, _DOUT), jnp.float32),
)


def _sc_gather_body(table_hbm, idx_hbm, out_hbm, idx_v, buf0, buf1, table_sp,
                    gsem0, gsem1, osem0, osem1):
    sid = lax.axis_index("s")
    wid = sid * _NUM_CORES + lax.axis_index("c")
    base = wid * _B_PER_W
    rows_per_tile = _TPAD // _NUM_SUBCORES
    pltpu.sync_copy(table_hbm.at[pl.ds(sid * rows_per_tile, rows_per_tile)],
                    table_sp.at[pl.ds(sid * rows_per_tile, rows_per_tile)])
    pltpu.sync_copy(idx_hbm.at[pl.ds(base, _B_PER_W)], idx_v)
    plsc.subcore_barrier()
    bufs = (buf0, buf1)
    gsems = (gsem0, gsem1)
    osems = (osem0, osem1)
    gathers = [None, None]
    writes = [None, None]
    for c in range(_NCHUNK):
        s = c % 2
        if c < 2:
            gathers[s] = pltpu.async_copy(
                table_sp.at[idx_v.at[pl.ds(c * _CHUNK, _CHUNK)]],
                bufs[s], gsems[s])
        gathers[s].wait()
        writes[s] = pltpu.async_copy(
            bufs[s], out_hbm.at[pl.ds(base + c * _CHUNK, _CHUNK)], osems[s])
        nxt = c + 2
        if nxt < _NCHUNK:
            writes[s].wait()
            writes[s] = None
            gathers[s] = pltpu.async_copy(
                table_sp.at[idx_v.at[pl.ds(nxt * _CHUNK, _CHUNK)]],
                bufs[s], gsems[s])
    for s in range(2):
        if writes[s] is not None:
            writes[s].wait()


@functools.lru_cache(maxsize=1)
def _sc_gather():
    return functools.partial(
        pl.kernel,
        out_type=jax.ShapeDtypeStruct((_BATCH, _DOUT), jnp.float32),
        mesh=plsc.VectorSubcoreMesh(
            core_axis_name="c", subcore_axis_name="s",
            num_cores=_NUM_CORES, num_subcores=_NUM_SUBCORES),
        compiler_params=pltpu.CompilerParams(use_tc_tiling_on_sc=False),
        scratch_types=[
            pltpu.VMEM((_B_PER_W,), jnp.int32),
            pltpu.VMEM((_CHUNK, _DOUT), jnp.float32),
            pltpu.VMEM((_CHUNK, _DOUT), jnp.float32),
            pltpu.VMEM_SHARED((_TPAD, _DOUT), jnp.float32),
            pltpu.SemaphoreType.DMA,
            pltpu.SemaphoreType.DMA,
            pltpu.SemaphoreType.DMA,
            pltpu.SemaphoreType.DMA,
        ],
    )(_sc_gather_body)


def kernel(t, W1r, W1i, b1r, b1i, W2r, W2i, b2r, b2i):
    h = _HIDDEN // 2
    A = jnp.concatenate([W2r[:, :h], W2i[:, :h], W2r[:, h:], W2i[:, h:]], axis=1)
    Bm = jnp.concatenate([-W2i[:, :h], W2r[:, :h], -W2i[:, h:], W2r[:, h:]], axis=1)
    c = jnp.concatenate([b2r[:h], b2i[:h], b2r[h:], b2i[h:]]).reshape(1, _DOUT)
    table = _mlp_table(W1r, W1i, b1r.reshape(1, _HIDDEN), b1i.reshape(1, _HIDDEN),
                       A, Bm, c)
    out = _sc_gather()(table, t.astype(jnp.int32))
    return (out.reshape(_BATCH, 2, 2, h)
            .transpose(0, 1, 3, 2)
            .reshape(_BATCH, _HIDDEN, 2))

# --- scband reference (transcript-rebuilt; emitter-appended) ---
"""Pipeline reference for scband-diffusion-embedding-84327387890078 (READ-ONLY COPY).

The authoritative reference and input builder live on the scoring server;
editing this copy changes nothing except your own understanding.
"""

import math
import jax, jax.numpy as jnp
import numpy as np

MAX_STEP = 1000
EMBED_DIM = 256
HIDDEN_DIM = 256
BATCH = 16384


def _build_embedding(max_step, embed_dim):
    steps = jnp.arange(max_step, dtype=jnp.float32)[:, None]
    dims = jnp.arange(embed_dim, dtype=jnp.float32)[None, :]
    table = steps * jnp.exp(-math.log(max_step) * dims / embed_dim)
    # torch.view_as_real(torch.exp(1j * table)) -> last dim = (real, imag) = (cos, sin)
    return jnp.stack([jnp.cos(table), jnp.sin(table)], axis=-1)  # [max_step, embed_dim, 2]


def setup_inputs(seed: int = 0) -> dict:
    key = jax.random.key(seed)
    ks = jax.random.split(key, 5)
    t = jax.random.randint(ks[0], (BATCH,), 0, MAX_STEP, dtype=jnp.int64 if jax.config.jax_enable_x64 else jnp.int32)
    std = 0.02
    W1r = jax.random.normal(ks[1], (EMBED_DIM, HIDDEN_DIM), dtype=jnp.float32) * std
    W1i = jax.random.normal(ks[2], (EMBED_DIM, HIDDEN_DIM), dtype=jnp.float32) * std
    W2r = jax.random.normal(ks[3], (HIDDEN_DIM, HIDDEN_DIM), dtype=jnp.float32) * std
    W2i = jax.random.normal(ks[4], (HIDDEN_DIM, HIDDEN_DIM), dtype=jnp.float32) * std
    b1r = jnp.zeros((HIDDEN_DIM,), dtype=jnp.float32)
    b1i = jnp.zeros((HIDDEN_DIM,), dtype=jnp.float32)
    b2r = jnp.zeros((HIDDEN_DIM,), dtype=jnp.float32)
    b2i = jnp.zeros((HIDDEN_DIM,), dtype=jnp.float32)
    return {"t": t, "W1r": W1r, "W1i": W1i, "b1r": b1r, "b1i": b1i,
            "W2r": W2r, "W2i": W2i, "b2r": b2r, "b2i": b2i}


def reference(t, W1r, W1i, b1r, b1i, W2r, W2i, b2r, b2i):
    table = _build_embedding(MAX_STEP, EMBED_DIM)  # [max_step, embed_dim, 2] buffer
    x = jnp.take(table, t, axis=0)  # gather: [B, embed_dim, 2]
    xr, xi = x[..., 0], x[..., 1]
    # ComplexLinear 1: (xr + i*xi) @ (W1r + i*W1i) + (b1r + i*b1i)
    hr = xr @ W1r - xi @ W1i + b1r
    hi = xr @ W1i + xi @ W1r + b1i
    # ComplexSiLU: SiLU applied to real and imaginary parts independently
    hr = jax.nn.silu(hr)
    hi = jax.nn.silu(hi)
    # ComplexLinear 2
    outr = hr @ W2r - hi @ W2i + b2r
    outi = hr @ W2i + hi @ W2r + b2i
    return jnp.stack([outr, outi], axis=-1)  # [B, hidden_dim, 2]

if __name__ == "__main__":
    import jax
    _d = setup_inputs()
    print(jax.jit(kernel)(*tuple(_d.values())))

</pallas_src>

<mosaic_0001>
#map = affine_map<(d0, d1) -> (0, 0)>
#map1 = affine_map<(d0, d1) -> (0)>
module attributes {stable_mosaic.version = 14 : i64} {
  func.func @_sc_gather_body(%arg0: i32, %arg1: i32, %arg2: memref<1024x512xf32, #tpu.memory_space<hbm>>, %arg3: memref<16384xi32, #tpu.memory_space<hbm>>, %arg4: memref<16384x512xf32, #tpu.memory_space<hbm>>, %arg5: memref<512xi32, #tpu.memory_space<vmem>>, %arg6: memref<64x512xf32, #tpu.memory_space<vmem>>, %arg7: memref<64x512xf32, #tpu.memory_space<vmem>>, %arg8: memref<1024x512xf32, #tpu.memory_space<vmem_shared>>, %arg9: memref<!tpu.dma_semaphore, #tpu.memory_space<semaphore_mem>>, %arg10: memref<!tpu.dma_semaphore, #tpu.memory_space<semaphore_mem>>, %arg11: memref<!tpu.dma_semaphore, #tpu.memory_space<semaphore_mem>>, %arg12: memref<!tpu.dma_semaphore, #tpu.memory_space<semaphore_mem>>) attributes {dimension_semantics = [#tpu.dimension_semantics<core_parallel>, #tpu.dimension_semantics<subcore_parallel>], iteration_bounds = array<i64: 2, 16>, scalar_prefetch = 0 : i64, scratch_operands = 8 : i64, tpu.core_type = #tpu.core_type<sc_vector_subcore>, window_params = [{transform_indices = #map}, {transform_indices = #map1}, {transform_indices = #map}]} {
    %mul3A = arith.constant 2 : i32
    %mul3A_0 = arith.muli %arg1, %mul3A : i32
    %add3A = arith.addi %mul3A_0, %arg0 : i32
    %mul3A_1 = arith.constant 512 : i32
    %mul3A_2 = arith.muli %add3A, %mul3A_1 : i32
    %mul3A_3 = arith.constant 64 : i32
    %mul3A_4 = arith.muli %arg1, %mul3A_3 : i32
    %mul3A_5 = arith.constant 64 : i32
    %mul3A_6 = arith.muli %arg1, %mul3A_5 : i32
    "tpu.region"() ({
      %run_scoped3A = tpu.sem_alloc : memref<!tpu.dma_semaphore, #tpu.memory_space<semaphore_mem>>
      %dma_start3A_165 = arith.constant 0 : i32
      %dma_start3A_166 = tpu.memref_slice %arg8[%mul3A_6, %dma_start3A_165] : memref<1024x512xf32, #tpu.memory_space<vmem_shared>> -> memref<64x512xf32, #tpu.memory_space<vmem_shared>>
      %dma_start3A_167 = arith.constant 0 : i32
      %dma_start3A_168 = tpu.memref_slice %arg2[%mul3A_4, %dma_start3A_167] : memref<1024x512xf32, #tpu.memory_space<hbm>> -> memref<64x512xf32, #tpu.memory_space<hbm>>
      tpu.enqueue_dma source(%dma_start3A_168 : memref<64x512xf32, #tpu.memory_space<hbm>>) target(%dma_start3A_166 : memref<64x512xf32, #tpu.memory_space<vmem_shared>>) target_semaphore(%run_scoped3A : memref<!tpu.dma_semaphore, #tpu.memory_space<semaphore_mem>>)
      %dma_wait3A_169 = arith.constant 0 : i32
      %dma_wait3A_170 = tpu.memref_slice %arg8[%mul3A_6, %dma_wait3A_169] : memref<1024x512xf32, #tpu.memory_space<vmem_shared>> -> memref<64x512xf32, #tpu.memory_space<vmem_shared>>
      %dma_wait3A_171 = arith.constant 0 : i32
      %dma_wait3A_172 = tpu.memref_slice %arg2[%mul3A_4, %dma_wait3A_171] : memref<1024x512xf32, #tpu.memory_space<hbm>> -> memref<64x512xf32, #tpu.memory_space<hbm>>
      tpu.wait_dma2 semaphore(%run_scoped3A : memref<!tpu.dma_semaphore, #tpu.memory_space<semaphore_mem>>) src(%dma_wait3A_172 : memref<64x512xf32, #tpu.memory_space<hbm>>) dst(%dma_wait3A_170 : memref<64x512xf32, #tpu.memory_space<vmem_shared>>)
      tpu.yield
    }) : () -> ()
    "tpu.region"() ({
      %run_scoped3A = tpu.sem_alloc : memref<!tpu.dma_semaphore, #tpu.memory_space<semaphore_mem>>
      %dma_start3A_165 = tpu.memref_slice %arg3[%mul3A_2] : memref<16384xi32, #tpu.memory_space<hbm>> -> memref<512xi32, #tpu.memory_space<hbm>>
      %dma_start3A_166 = tpu.memref_slice %arg3[%mul3A_2] : memref<16384xi32, #tpu.memory_space<hbm>> -> memref<512xi32, #tpu.memory_space<hbm>>
      tpu.enqueue_dma source(%dma_start3A_166 : memref<512xi32, #tpu.memory_space<hbm>>) target(%arg5 : memref<512xi32, #tpu.memory_space<vmem>>) target_semaphore(%run_scoped3A : memref<!tpu.dma_semaphore, #tpu.memory_space<semaphore_mem>>)
      %dma_wait3A_167 = tpu.memref_slice %arg3[%mul3A_2] : memref<16384xi32, #tpu.memory_space<hbm>> -> memref<512xi32, #tpu.memory_space<hbm>>
      %dma_wait3A_168 = tpu.memref_slice %arg3[%mul3A_2] : memref<16384xi32, #tpu.memory_space<hbm>> -> memref<512xi32, #tpu.memory_space<hbm>>
      tpu.wait_dma2 semaphore(%run_scoped3A : memref<!tpu.dma_semaphore, #tpu.memory_space<semaphore_mem>>) src(%dma_wait3A_168 : memref<512xi32, #tpu.memory_space<hbm>>) dst(%arg5 : memref<512xi32, #tpu.memory_space<vmem>>)
      tpu.yield
    }) : () -> ()
    %barrier3A = arith.constant 0 : index
    tpu.barrier barrier_id(%barrier3A)
    %dma_start3A = arith.constant 0 : i32
    %dma_start3A_7 = tpu.memref_slice %arg5[%dma_start3A] : memref<512xi32, #tpu.memory_space<vmem>> -> memref<64xi32, #tpu.memory_space<vmem>>
    %dma_start3A_8 = arith.constant 0 : i32
    %dma_start3A_9 = arith.constant 0 : i32
    %dma_start3A_10 = tpu.memref_slice %arg8[%dma_start3A_8, %dma_start3A_9] : memref<1024x512xf32, #tpu.memory_space<vmem_shared>> -> memref<1024x512xf32, #tpu.memory_space<vmem_shared>>
    tpu.enqueue_indirect_dma source(%dma_start3A_10 : memref<1024x512xf32, #tpu.memory_space<vmem_shared>>) target(%arg6 : memref<64x512xf32, #tpu.memory_space<vmem>>) offsets(%dma_start3A_7 : memref<64xi32, #tpu.memory_space<vmem>>) semaphore(%arg9 : memref<!tpu.dma_semaphore, #tpu.memory_space<semaphore_mem>>)
    %dma_wait3A = arith.constant 0 : i32
    %dma_wait3A_11 = tpu.memref_slice %arg5[%dma_wait3A] : memref<512xi32, #tpu.memory_space<vmem>> -> memref<64xi32, #tpu.memory_space<vmem>>
    %dma_wait3A_12 = arith.constant 0 : i32
    %dma_wait3A_13 = arith.constant 0 : i32
    %dma_wait3A_14 = tpu.memref_slice %arg8[%dma_wait3A_12, %dma_wait3A_13] : memref<1024x512xf32, #tpu.memory_space<vmem_shared>> -> memref<1024x512xf32, #tpu.memory_space<vmem_shared>>
    tpu.wait_indirect_dma semaphore(%arg9 : memref<!tpu.dma_semaphore, #tpu.memory_space<semaphore_mem>>) src(%dma_wait3A_14 : memref<1024x512xf32, #tpu.memory_space<vmem_shared>>) dst(%arg6 : memref<64x512xf32, #tpu.memory_space<vmem>>)
    %add3A_15 = arith.constant 0 : i32
    %add3A_16 = arith.addi %mul3A_2, %add3A_15 : i32
    %dma_start3A_17 = arith.constant 0 : i32
    %dma_start3A_18 = tpu.memref_slice %arg4[%add3A_16, %dma_start3A_17] : memref<16384x512xf32, #tpu.memory_space<hbm>> -> memref<64x512xf32, #tpu.memory_space<hbm>>
    %dma_start3A_19 = arith.constant 0 : i32
    %dma_start3A_20 = tpu.memref_slice %arg4[%add3A_16, %dma_start3A_19] : memref<16384x512xf32, #tpu.memory_space<hbm>> -> memref<64x512xf32, #tpu.memory_space<hbm>>
    tpu.enqueue_dma source(%arg6 : memref<64x512xf32, #tpu.memory_space<vmem>>) target(%dma_start3A_20 : memref<64x512xf32, #tpu.memory_space<hbm>>) target_semaphore(%arg11 : memref<!tpu.dma_semaphore, #tpu.memory_space<semaphore_mem>>)
    %dma_wait3A_21 = arith.constant 0 : i32
    %dma_wait3A_22 = tpu.memref_slice %arg4[%add3A_16, %dma_wait3A_21] : memref<16384x512xf32, #tpu.memory_space<hbm>> -> memref<64x512xf32, #tpu.memory_space<hbm>>
    %dma_wait3A_23 = arith.constant 0 : i32
    %dma_wait3A_24 = tpu.memref_slice %arg4[%add3A_16, %dma_wait3A_23] : memref<16384x512xf32, #tpu.memory_space<hbm>> -> memref<64x512xf32, #tpu.memory_space<hbm>>
    tpu.wait_dma2 semaphore(%arg11 : memref<!tpu.dma_semaphore, #tpu.memory_space<semaphore_mem>>) src(%arg6 : memref<64x512xf32, #tpu.memory_space<vmem>>) dst(%dma_wait3A_24 : memref<64x512xf32, #tpu.memory_space<hbm>>)
    %dma_start3A_25 = arith.constant 128 : i32
    %dma_start3A_26 = tpu.memref_slice %arg5[%dma_start3A_25] : memref<512xi32, #tpu.memory_space<vmem>> -> memref<64xi32, #tpu.memory_space<vmem>>
    %dma_start3A_27 = arith.constant 0 : i32
    %dma_start3A_28 = arith.constant 0 : i32
    %dma_start3A_29 = tpu.memref_slice %arg8[%dma_start3A_27, %dma_start3A_28] : memref<1024x512xf32, #tpu.memory_space<vmem_shared>> -> memref<1024x512xf32, #tpu.memory_space<vmem_shared>>
    tpu.enqueue_indirect_dma source(%dma_start3A_29 : memref<1024x512xf32, #tpu.memory_space<vmem_shared>>) target(%arg6 : memref<64x512xf32, #tpu.memory_space<vmem>>) offsets(%dma_start3A_26 : memref<64xi32, #tpu.memory_space<vmem>>) semaphore(%arg9 : memref<!tpu.dma_semaphore, #tpu.memory_space<semaphore_mem>>)
    %dma_start3A_30 = arith.constant 64 : i32
    %dma_start3A_31 = tpu.memref_slice %arg5[%dma_start3A_30] : memref<512xi32, #tpu.memory_space<vmem>> -> memref<64xi32, #tpu.memory_space<vmem>>
    %dma_start3A_32 = arith.constant 0 : i32
    %dma_start3A_33 = arith.constant 0 : i32
    %dma_start3A_34 = tpu.memref_slice %arg8[%dma_start3A_32, %dma_start3A_33] : memref<1024x512xf32, #tpu.memory_space<vmem_shared>> -> memref<1024x512xf32, #tpu.memory_space<vmem_shared>>
    tpu.enqueue_indirect_dma source(%dma_start3A_34 : memref<1024x512xf32, #tpu.memory_space<vmem_shared>>) target(%arg7 : memref<64x512xf32, #tpu.memory_space<vmem>>) offsets(%dma_start3A_31 : memref<64xi32, #tpu.memory_space<vmem>>) semaphore(%arg10 : memref<!tpu.dma_semaphore, #tpu.memory_space<semaphore_mem>>)
    %dma_wait3A_35 = arith.constant 64 : i32
    %dma_wait3A_36 = tpu.memref_slice %arg5[%dma_wait3A_35] : memref<512xi32, #tpu.memory_space<vmem>> -> memref<64xi32, #tpu.memory_space<vmem>>
    %dma_wait3A_37 = arith.constant 0 : i32
    %dma_wait3A_38 = arith.constant 0 : i32
    %dma_wait3A_39 = tpu.memref_slice %arg8[%dma_wait3A_37, %dma_wait3A_38] : memref<1024x512xf32, #tpu.memory_space<vmem_shared>> -> memref<1024x512xf32, #tpu.memory_space<vmem_shared>>
    tpu.wait_indirect_dma semaphore(%arg10 : memref<!tpu.dma_semaphore, #tpu.memory_space<semaphore_mem>>) src(%dma_wait3A_39 : memref<1024x512xf32, #tpu.memory_space<vmem_shared>>) dst(%arg7 : memref<64x512xf32, #tpu.memory_space<vmem>>)
    %add3A_40 = arith.constant 64 : i32
    %add3A_41 = arith.addi %mul3A_2, %add3A_40 : i32
    %dma_start3A_42 = arith.constant 0 : i32
    %dma_start3A_43 = tpu.memref_slice %arg4[%add3A_41, %dma_start3A_42] : memref<16384x512xf32, #tpu.memory_space<hbm>> -> memref<64x512xf32, #tpu.memory_space<hbm>>
    %dma_start3A_44 = arith.constant 0 : i32
    %dma_start3A_45 = tpu.memref_slice %arg4[%add3A_41, %dma_start3A_44] : memref<16384x512xf32, #tpu.memory_space<hbm>> -> memref<64x512xf32, #tpu.memory_space<hbm>>
    tpu.enqueue_dma source(%arg7 : memref<64x512xf32, #tpu.memory_space<vmem>>) target(%dma_start3A_45 : memref<64x512xf32, #tpu.memory_space<hbm>>) target_semaphore(%arg12 : memref<!tpu.dma_semaphore, #tpu.memory_space<semaphore_mem>>)
    %dma_wait3A_46 = arith.constant 0 : i32
    %dma_wait3A_47 = tpu.memref_slice %arg4[%add3A_41, %dma_wait3A_46] : memref<16384x512xf32, #tpu.memory_space<hbm>> -> memref<64x512xf32, #tpu.memory_space<hbm>>
    %dma_wait3A_48 = arith.constant 0 : i32
    %dma_wait3A_49 = tpu.memref_slice %arg4[%add3A_41, %dma_wait3A_48] : memref<16384x512xf32, #tpu.memory_space<hbm>> -> memref<64x512xf32, #tpu.memory_space<hbm>>
    tpu.wait_dma2 semaphore(%arg12 : memref<!tpu.dma_semaphore, #tpu.memory_space<semaphore_mem>>) src(%arg7 : memref<64x512xf32, #tpu.memory_space<vmem>>) dst(%dma_wait3A_49 : memref<64x512xf32, #tpu.memory_space<hbm>>)
    %dma_start3A_50 = arith.constant 192 : i32
    %dma_start3A_51 = tpu.memref_slice %arg5[%dma_start3A_50] : memref<512xi32, #tpu.memory_space<vmem>> -> memref<64xi32, #tpu.memory_space<vmem>>
    %dma_start3A_52 = arith.constant 0 : i32
    %dma_start3A_53 = arith.constant 0 : i32
    %dma_start3A_54 = tpu.memref_slice %arg8[%dma_start3A_52, %dma_start3A_53] : memref<1024x512xf32, #tpu.memory_space<vmem_shared>> -> memref<1024x512xf32, #tpu.memory_space<vmem_shared>>
    tpu.enqueue_indirect_dma source(%dma_start3A_54 : memref<1024x512xf32, #tpu.memory_space<vmem_shared>>) target(%arg7 : memref<64x512xf32, #tpu.memory_space<vmem>>) offsets(%dma_start3A_51 : memref<64xi32, #tpu.memory_space<vmem>>) semaphore(%arg10 : memref<!tpu.dma_semaphore, #tpu.memory_space<semaphore_mem>>)
    %dma_wait3A_55 = arith.constant 128 : i32
    %dma_wait3A_56 = tpu.memref_slice %arg5[%dma_wait3A_55] : memref<512xi32, #tpu.memory_space<vmem>> -> memref<64xi32, #tpu.memory_space<vmem>>
    %dma_wait3A_57 = arith.constant 0 : i32
    %dma_wait3A_58 = arith.constant 0 : i32
    %dma_wait3A_59 = tpu.memref_slice %arg8[%dma_wait3A_57, %dma_wait3A_58] : memref<1024x512xf32, #tpu.memory_space<vmem_shared>> -> memref<1024x512xf32, #tpu.memory_space<vmem_shared>>
    tpu.wait_indirect_dma semaphore(%arg9 : memref<!tpu.dma_semaphore, #tpu.memory_space<semaphore_mem>>) src(%dma_wait3A_59 : memref<1024x512xf32, #tpu.memory_space<vmem_shared>>) dst(%arg6 : memref<64x512xf32, #tpu.memory_space<vmem>>)
    %add3A_60 = arith.constant 128 : i32
    %add3A_61 = arith.addi %mul3A_2, %add3A_60 : i32
    %dma_start3A_62 = arith.constant 0 : i32
    %dma_start3A_63 = tpu.memref_slice %arg4[%add3A_61, %dma_start3A_62] : memref<16384x512xf32, #tpu.memory_space<hbm>> -> memref<64x512xf32, #tpu.memory_space<hbm>>
    %dma_start3A_64 = arith.constant 0 : i32
    %dma_start3A_65 = tpu.memref_slice %arg4[%add3A_61, %dma_start3A_64] : memref<16384x512xf32, #tpu.memory_space<hbm>> -> memref<64x512xf32, #tpu.memory_space<hbm>>
    tpu.enqueue_dma source(%arg6 : memref<64x512xf32, #tpu.memory_space<vmem>>) target(%dma_start3A_65 : memref<64x512xf32, #tpu.memory_space<hbm>>) target_semaphore(%arg11 : memref<!tpu.dma_semaphore, #tpu.memory_space<semaphore_mem>>)
    %dma_wait3A_66 = arith.constant 0 : i32
    %dma_wait3A_67 = tpu.memref_slice %arg4[%add3A_61, %dma_wait3A_66] : memref<16384x512xf32, #tpu.memory_space<hbm>> -> memref<64x512xf32, #tpu.memory_space<hbm>>
    %dma_wait3A_68 = arith.constant 0 : i32
    %dma_wait3A_69 = tpu.memref_slice %arg4[%add3A_61, %dma_wait3A_68] : memref<16384x512xf32, #tpu.memory_space<hbm>> -> memref<64x512xf32, #tpu.memory_space<hbm>>
    tpu.wait_dma2 semaphore(%arg11 : memref<!tpu.dma_semaphore, #tpu.memory_space<semaphore_mem>>) src(%arg6 : memref<64x512xf32, #tpu.memory_space<vmem>>) dst(%dma_wait3A_69 : memref<64x512xf32, #tpu.memory_space<hbm>>)
    %dma_start3A_70 = arith.constant 256 : i32
    %dma_start3A_71 = tpu.memref_slice %arg5[%dma_start3A_70] : memref<512xi32, #tpu.memory_space<vmem>> -> memref<64xi32, #tpu.memory_space<vmem>>
    %dma_start3A_72 = arith.constant 0 : i32
    %dma_start3A_73 = arith.constant 0 : i32
    %dma_start3A_74 = tpu.memref_slice %arg8[%dma_start3A_72, %dma_start3A_73] : memref<1024x512xf32, #tpu.memory_space<vmem_shared>> -> memref<1024x512xf32, #tpu.memory_space<vmem_shared>>
    tpu.enqueue_indirect_dma source(%dma_start3A_74 : memref<1024x512xf32, #tpu.memory_space<vmem_shared>>) target(%arg6 : memref<64x512xf32, #tpu.memory_space<vmem>>) offsets(%dma_start3A_71 : memref<64xi32, #tpu.memory_space<vmem>>) semaphore(%arg9 : memref<!tpu.dma_semaphore, #tpu.memory_space<semaphore_mem>>)
    %dma_wait3A_75 = arith.constant 192 : i32
    %dma_wait3A_76 = tpu.memref_slice %arg5[%dma_wait3A_75] : memref<512xi32, #tpu.memory_space<vmem>> -> memref<64xi32, #tpu.memory_space<vmem>>
    %dma_wait3A_77 = arith.constant 0 : i32
    %dma_wait3A_78 = arith.constant 0 : i32
    %dma_wait3A_79 = tpu.memref_slice %arg8[%dma_wait3A_77, %dma_wait3A_78] : memref<1024x512xf32, #tpu.memory_space<vmem_shared>> -> memref<1024x512xf32, #tpu.memory_space<vmem_shared>>
    tpu.wait_indirect_dma semaphore(%arg10 : memref<!tpu.dma_semaphore, #tpu.memory_space<semaphore_mem>>) src(%dma_wait3A_79 : memref<1024x512xf32, #tpu.memory_space<vmem_shared>>) dst(%arg7 : memref<64x512xf32, #tpu.memory_space<vmem>>)
    %add3A_80 = arith.constant 192 : i32
    %add3A_81 = arith.addi %mul3A_2, %add3A_80 : i32
    %dma_start3A_82 = arith.constant 0 : i32
    %dma_start3A_83 = tpu.memref_slice %arg4[%add3A_81, %dma_start3A_82] : memref<16384x512xf32, #tpu.memory_space<hbm>> -> memref<64x512xf32, #tpu.memory_space<hbm>>
    %dma_start3A_84 = arith.constant 0 : i32
    %dma_start3A_85 = tpu.memref_slice %arg4[%add3A_81, %dma_start3A_84] : memref<16384x512xf32, #tpu.memory_space<hbm>> -> memref<64x512xf32, #tpu.memory_space<hbm>>
    tpu.enqueue_dma source(%arg7 : memref<64x512xf32, #tpu.memory_space<vmem>>) target(%dma_start3A_85 : memref<64x512xf32, #tpu.memory_space<hbm>>) target_semaphore(%arg12 : memref<!tpu.dma_semaphore, #tpu.memory_space<semaphore_mem>>)
    %dma_wait3A_86 = arith.constant 0 : i32
    %dma_wait3A_87 = tpu.memref_slice %arg4[%add3A_81, %dma_wait3A_86] : memref<16384x512xf32, #tpu.memory_space<hbm>> -> memref<64x512xf32, #tpu.memory_space<hbm>>
    %dma_wait3A_88 = arith.constant 0 : i32
    %dma_wait3A_89 = tpu.memref_slice %arg4[%add3A_81, %dma_wait3A_88] : memref<16384x512xf32, #tpu.memory_space<hbm>> -> memref<64x512xf32, #tpu.memory_space<hbm>>
    tpu.wait_dma2 semaphore(%arg12 : memref<!tpu.dma_semaphore, #tpu.memory_space<semaphore_mem>>) src(%arg7 : memref<64x512xf32, #tpu.memory_space<vmem>>) dst(%dma_wait3A_89 : memref<64x512xf32, #tpu.memory_space<hbm>>)
    %dma_start3A_90 = arith.constant 320 : i32
    %dma_start3A_91 = tpu.memref_slice %arg5[%dma_start3A_90] : memref<512xi32, #tpu.memory_space<vmem>> -> memref<64xi32, #tpu.memory_space<vmem>>
    %dma_start3A_92 = arith.constant 0 : i32
    %dma_start3A_93 = arith.constant 0 : i32
    %dma_start3A_94 = tpu.memref_slice %arg8[%dma_start3A_92, %dma_start3A_93] : memref<1024x512xf32, #tpu.memory_space<vmem_shared>> -> memref<1024x512xf32, #tpu.memory_space<vmem_shared>>
    tpu.enqueue_indirect_dma source(%dma_start3A_94 : memref<1024x512xf32, #tpu.memory_space<vmem_shared>>) target(%arg7 : memref<64x512xf32, #tpu.memory_space<vmem>>) offsets(%dma_start3A_91 : memref<64xi32, #tpu.memory_space<vmem>>) semaphore(%arg10 : memref<!tpu.dma_semaphore, #tpu.memory_space<semaphore_mem>>)
    %dma_wait3A_95 = arith.constant 256 : i32
    %dma_wait3A_96 = tpu.memref_slice %arg5[%dma_wait3A_95] : memref<512xi32, #tpu.memory_space<vmem>> -> memref<64xi32, #tpu.memory_space<vmem>>
    %dma_wait3A_97 = arith.constant 0 : i32
    %dma_wait3A_98 = arith.constant 0 : i32
    %dma_wait3A_99 = tpu.memref_slice %arg8[%dma_wait3A_97, %dma_wait3A_98] : memref<1024x512xf32, #tpu.memory_space<vmem_shared>> -> memref<1024x512xf32, #tpu.memory_space<vmem_shared>>
    tpu.wait_indirect_dma semaphore(%arg9 : memref<!tpu.dma_semaphore, #tpu.memory_space<semaphore_mem>>) src(%dma_wait3A_99 : memref<1024x512xf32, #tpu.memory_space<vmem_shared>>) dst(%arg6 : memref<64x512xf32, #tpu.memory_space<vmem>>)
    %add3A_100 = arith.constant 256 : i32
    %add3A_101 = arith.addi %mul3A_2, %add3A_100 : i32
    %dma_start3A_102 = arith.constant 0 : i32
    %dma_start3A_103 = tpu.memref_slice %arg4[%add3A_101, %dma_start3A_102] : memref<16384x512xf32, #tpu.memory_space<hbm>> -> memref<64x512xf32, #tpu.memory_space<hbm>>
    %dma_start3A_104 = arith.constant 0 : i32
    %dma_start3A_105 = tpu.memref_slice %arg4[%add3A_101, %dma_start3A_104] : memref<16384x512xf32, #tpu.memory_space<hbm>> -> memref<64x512xf32, #tpu.memory_space<hbm>>
    tpu.enqueue_dma source(%arg6 : memref<64x512xf32, #tpu.memory_space<vmem>>) target(%dma_start3A_105 : memref<64x512xf32, #tpu.memory_space<hbm>>) target_semaphore(%arg11 : memref<!tpu.dma_semaphore, #tpu.memory_space<semaphore_mem>>)
    %dma_wait3A_106 = arith.constant 0 : i32
    %dma_wait3A_107 = tpu.memref_slice %arg4[%add3A_101, %dma_wait3A_106] : memref<16384x512xf32, #tpu.memory_space<hbm>> -> memref<64x512xf32, #tpu.memory_space<hbm>>
    %dma_wait3A_108 = arith.constant 0 : i32
    %dma_wait3A_109 = tpu.memref_slice %arg4[%add3A_101, %dma_wait3A_108] : memref<16384x512xf32, #tpu.memory_space<hbm>> -> memref<64x512xf32, #tpu.memory_space<hbm>>
    tpu.wait_dma2 semaphore(%arg11 : memref<!tpu.dma_semaphore, #tpu.memory_space<semaphore_mem>>) src(%arg6 : memref<64x512xf32, #tpu.memory_space<vmem>>) dst(%dma_wait3A_109 : memref<64x512xf32, #tpu.memory_space<hbm>>)
    %dma_start3A_110 = arith.constant 384 : i32
    %dma_start3A_111 = tpu.memref_slice %arg5[%dma_start3A_110] : memref<512xi32, #tpu.memory_space<vmem>> -> memref<64xi32, #tpu.memory_space<vmem>>
    %dma_start3A_112 = arith.constant 0 : i32
    %dma_start3A_113 = arith.constant 0 : i32
    %dma_start3A_114 = tpu.memref_slice %arg8[%dma_start3A_112, %dma_start3A_113] : memref<1024x512xf32, #tpu.memory_space<vmem_shared>> -> memref<1024x512xf32, #tpu.memory_space<vmem_shared>>
    tpu.enqueue_indirect_dma source(%dma_start3A_114 : memref<1024x512xf32, #tpu.memory_space<vmem_shared>>) target(%arg6 : memref<64x512xf32, #tpu.memory_space<vmem>>) offsets(%dma_start3A_111 : memref<64xi32, #tpu.memory_space<vmem>>) semaphore(%arg9 : memref<!tpu.dma_semaphore, #tpu.memory_space<semaphore_mem>>)
    %dma_wait3A_115 = arith.constant 320 : i32
    %dma_wait3A_116 = tpu.memref_slice %arg5[%dma_wait3A_115] : memref<512xi32, #tpu.memory_space<vmem>> -> memref<64xi32, #tpu.memory_space<vmem>>
    %dma_wait3A_117 = arith.constant 0 : i32
    %dma_wait3A_118 = arith.constant 0 : i32
    %dma_wait3A_119 = tpu.memref_slice %arg8[%dma_wait3A_117, %dma_wait3A_118] : memref<1024x512xf32, #tpu.memory_space<vmem_shared>> -> memref<1024x512xf32, #tpu.memory_space<vmem_shared>>
    tpu.wait_indirect_dma semaphore(%arg10 : memref<!tpu.dma_semaphore, #tpu.memory_space<semaphore_mem>>) src(%dma_wait3A_119 : memref<1024x512xf32, #tpu.memory_space<vmem_shared>>) dst(%arg7 : memref<64x512xf32, #tpu.memory_space<vmem>>)
    %add3A_120 = arith.constant 320 : i32
    %add3A_121 = arith.addi %mul3A_2, %add3A_120 : i32
    %dma_start3A_122 = arith.constant 0 : i32
    %dma_start3A_123 = tpu.memref_slice %arg4[%add3A_121, %dma_start3A_122] : memref<16384x512xf32, #tpu.memory_space<hbm>> -> memref<64x512xf32, #tpu.memory_space<hbm>>
    %dma_start3A_124 = arith.constant 0 : i32
    %dma_start3A_125 = tpu.memref_slice %arg4[%add3A_121, %dma_start3A_124] : memref<16384x512xf32, #tpu.memory_space<hbm>> -> memref<64x512xf32, #tpu.memory_space<hbm>>
    tpu.enqueue_dma source(%arg7 : memref<64x512xf32, #tpu.memory_space<vmem>>) target(%dma_start3A_125 : memref<64x512xf32, #tpu.memory_space<hbm>>) target_semaphore(%arg12 : memref<!tpu.dma_semaphore, #tpu.memory_space<semaphore_mem>>)
    %dma_wait3A_126 = arith.constant 0 : i32
    %dma_wait3A_127 = tpu.memref_slice %arg4[%add3A_121, %dma_wait3A_126] : memref<16384x512xf32, #tpu.memory_space<hbm>> -> memref<64x512xf32, #tpu.memory_space<hbm>>
    %dma_wait3A_128 = arith.constant 0 : i32
    %dma_wait3A_129 = tpu.memref_slice %arg4[%add3A_121, %dma_wait3A_128] : memref<16384x512xf32, #tpu.memory_space<hbm>> -> memref<64x512xf32, #tpu.memory_space<hbm>>
    tpu.wait_dma2 semaphore(%arg12 : memref<!tpu.dma_semaphore, #tpu.memory_space<semaphore_mem>>) src(%arg7 : memref<64x512xf32, #tpu.memory_space<vmem>>) dst(%dma_wait3A_129 : memref<64x512xf32, #tpu.memory_space<hbm>>)
    %dma_start3A_130 = arith.constant 448 : i32
    %dma_start3A_131 = tpu.memref_slice %arg5[%dma_start3A_130] : memref<512xi32, #tpu.memory_space<vmem>> -> memref<64xi32, #tpu.memory_space<vmem>>
    %dma_start3A_132 = arith.constant 0 : i32
    %dma_start3A_133 = arith.constant 0 : i32
    %dma_start3A_134 = tpu.memref_slice %arg8[%dma_start3A_132, %dma_start3A_133] : memref<1024x512xf32, #tpu.memory_space<vmem_shared>> -> memref<1024x512xf32, #tpu.memory_space<vmem_shared>>
    tpu.enqueue_indirect_dma source(%dma_start3A_134 : memref<1024x512xf32, #tpu.memory_space<vmem_shared>>) target(%arg7 : memref<64x512xf32, #tpu.memory_space<vmem>>) offsets(%dma_start3A_131 : memref<64xi32, #tpu.memory_space<vmem>>) semaphore(%arg10 : memref<!tpu.dma_semaphore, #tpu.memory_space<semaphore_mem>>)
    %dma_wait3A_135 = arith.constant 384 : i32
    %dma_wait3A_136 = tpu.memref_slice %arg5[%dma_wait3A_135] : memref<512xi32, #tpu.memory_space<vmem>> -> memref<64xi32, #tpu.memory_space<vmem>>
    %dma_wait3A_137 = arith.constant 0 : i32
    %dma_wait3A_138 = arith.constant 0 : i32
    %dma_wait3A_139 = tpu.memref_slice %arg8[%dma_wait3A_137, %dma_wait3A_138] : memref<1024x512xf32, #tpu.memory_space<vmem_shared>> -> memref<1024x512xf32, #tpu.memory_space<vmem_shared>>
    tpu.wait_indirect_dma semaphore(%arg9 : memref<!tpu.dma_semaphore, #tpu.memory_space<semaphore_mem>>) src(%dma_wait3A_139 : memref<1024x512xf32, #tpu.memory_space<vmem_shared>>) dst(%arg6 : memref<64x512xf32, #tpu.memory_space<vmem>>)
    %add3A_140 = arith.constant 384 : i32
    %add3A_141 = arith.addi %mul3A_2, %add3A_140 : i32
    %dma_start3A_142 = arith.constant 0 : i32
    %dma_start3A_143 = tpu.memref_slice %arg4[%add3A_141, %dma_start3A_142] : memref<16384x512xf32, #tpu.memory_space<hbm>> -> memref<64x512xf32, #tpu.memory_space<hbm>>
    %dma_start3A_144 = arith.constant 0 : i32
    %dma_start3A_145 = tpu.memref_slice %arg4[%add3A_141, %dma_start3A_144] : memref<16384x512xf32, #tpu.memory_space<hbm>> -> memref<64x512xf32, #tpu.memory_space<hbm>>
    tpu.enqueue_dma source(%arg6 : memref<64x512xf32, #tpu.memory_space<vmem>>) target(%dma_start3A_145 : memref<64x512xf32, #tpu.memory_space<hbm>>) target_semaphore(%arg11 : memref<!tpu.dma_semaphore, #tpu.memory_space<semaphore_mem>>)
    %dma_wait3A_146 = arith.constant 448 : i32
    %dma_wait3A_147 = tpu.memref_slice %arg5[%dma_wait3A_146] : memref<512xi32, #tpu.memory_space<vmem>> -> memref<64xi32, #tpu.memory_space<vmem>>
    %dma_wait3A_148 = arith.constant 0 : i32
    %dma_wait3A_149 = arith.constant 0 : i32
    %dma_wait3A_150 = tpu.memref_slice %arg8[%dma_wait3A_148, %dma_wait3A_149] : memref<1024x512xf32, #tpu.memory_space<vmem_shared>> -> memref<1024x512xf32, #tpu.memory_space<vmem_shared>>
    tpu.wait_indirect_dma semaphore(%arg10 : memref<!tpu.dma_semaphore, #tpu.memory_space<semaphore_mem>>) src(%dma_wait3A_150 : memref<1024x512xf32, #tpu.memory_space<vmem_shared>>) dst(%arg7 : memref<64x512xf32, #tpu.memory_space<vmem>>)
    %add3A_151 = arith.constant 448 : i32
    %add3A_152 = arith.addi %mul3A_2, %add3A_151 : i32
    %dma_start3A_153 = arith.constant 0 : i32
    %dma_start3A_154 = tpu.memref_slice %arg4[%add3A_152, %dma_start3A_153] : memref<16384x512xf32, #tpu.memory_space<hbm>> -> memref<64x512xf32, #tpu.memory_space<hbm>>
    %dma_start3A_155 = arith.constant 0 : i32
    %dma_start3A_156 = tpu.memref_slice %arg4[%add3A_152, %dma_start3A_155] : memref<16384x512xf32, #tpu.memory_space<hbm>> -> memref<64x512xf32, #tpu.memory_space<hbm>>
    tpu.enqueue_dma source(%arg7 : memref<64x512xf32, #tpu.memory_space<vmem>>) target(%dma_start3A_156 : memref<64x512xf32, #tpu.memory_space<hbm>>) target_semaphore(%arg12 : memref<!tpu.dma_semaphore, #tpu.memory_space<semaphore_mem>>)
    %dma_wait3A_157 = arith.constant 0 : i32
    %dma_wait3A_158 = tpu.memref_slice %arg4[%add3A_141, %dma_wait3A_157] : memref<16384x512xf32, #tpu.memory_space<hbm>> -> memref<64x512xf32, #tpu.memory_space<hbm>>
    %dma_wait3A_159 = arith.constant 0 : i32
    %dma_wait3A_160 = tpu.memref_slice %arg4[%add3A_141, %dma_wait3A_159] : memref<16384x512xf32, #tpu.memory_space<hbm>> -> memref<64x512xf32, #tpu.memory_space<hbm>>
    tpu.wait_dma2 semaphore(%arg11 : memref<!tpu.dma_semaphore, #tpu.memory_space<semaphore_mem>>) src(%arg6 : memref<64x512xf32, #tpu.memory_space<vmem>>) dst(%dma_wait3A_160 : memref<64x512xf32, #tpu.memory_space<hbm>>)
    %dma_wait3A_161 = arith.constant 0 : i32
    %dma_wait3A_162 = tpu.memref_slice %arg4[%add3A_152, %dma_wait3A_161] : memref<16384x512xf32, #tpu.memory_space<hbm>> -> memref<64x512xf32, #tpu.memory_space<hbm>>
    %dma_wait3A_163 = arith.constant 0 : i32
    %dma_wait3A_164 = tpu.memref_slice %arg4[%add3A_152, %dma_wait3A_163] : memref<16384x512xf32, #tpu.memory_space<hbm>> -> memref<64x512xf32, #tpu.memory_space<hbm>>
    tpu.wait_dma2 semaphore(%arg12 : memref<!tpu.dma_semaphore, #tpu.memory_space<semaphore_mem>>) src(%arg7 : memref<64x512xf32, #tpu.memory_space<vmem>>) dst(%dma_wait3A_164 : memref<64x512xf32, #tpu.memory_space<hbm>>)
    return
  }
}

module attributes {stable_mosaic.version = 14 : i64} {
  func.func @_mlp_table_body(%arg0: memref<256x256xf32, #tpu.memory_space<vmem>>, %arg1: memref<256x256xf32, #tpu.memory_space<vmem>>, %arg2: memref<1x256xf32, #tpu.memory_space<vmem>>, %arg3: memref<1x256xf32, #tpu.memory_space<vmem>>, %arg4: memref<256x512xf32, #tpu.memory_space<vmem>>, %arg5: memref<256x512xf32, #tpu.memory_space<vmem>>, %arg6: memref<1x512xf32, #tpu.memory_space<vmem>>, %arg7: memref<1024x512xf32, #tpu.memory_space<vmem>>) attributes {dimension_semantics = [], scalar_prefetch = 0 : i64, scratch_operands = 0 : i64, tpu.core_type = #tpu.core_type<tc>} {
    %iota3A = tpu.iota {dimensions = array<i32: 0>} : vector<32x256xi32>
    %convert_element_type3A = arith.sitofp %iota3A : vector<32x256xi32> to vector<32x256xf32>
    %iota3A_0 = tpu.iota {dimensions = array<i32: 1>} : vector<32x256xi32>
    %convert_element_type3A_1 = arith.sitofp %iota3A_0 : vector<32x256xi32> to vector<32x256xf32>
    %mul3A = arith.constant -6.90775537 : f32
    %mul3A_2 = vector.broadcast %mul3A : f32 to vector<32x256xf32>
    %mul3A_3 = arith.mulf %convert_element_type3A_1, %mul3A_2 : vector<32x256xf32>
    %div3A = arith.constant 2.560000e+02 : f32
    %div3A_4 = vector.broadcast %div3A : f32 to vector<32x256xf32>
    %div3A_5 = arith.divf %mul3A_3, %div3A_4 : vector<32x256xf32>
    %exp3A = math.exp %div3A_5 : vector<32x256xf32>
    %mul3A_6 = arith.constant 3.200000e+01 : f32
    %mul3A_7 = vector.broadcast %mul3A_6 : f32 to vector<32x256xf32>
    %mul3A_8 = arith.mulf %convert_element_type3A, %mul3A_7 : vector<32x256xf32>
    %mul3A_9 = arith.mulf %mul3A_8, %exp3A : vector<32x256xf32>
    %mul3A_10 = arith.mulf %convert_element_type3A, %exp3A : vector<32x256xf32>
    %cos3A = math.cos %mul3A_9 : vector<32x256xf32>
    %sin3A = math.sin %mul3A_9 : vector<32x256xf32>
    %cos3A_11 = math.cos %mul3A_10 : vector<32x256xf32>
    %sin3A_12 = math.sin %mul3A_10 : vector<32x256xf32>
    %broadcast_in_dim3A = vector.shape_cast %cos3A : vector<32x256xf32> to vector<32x1x256xf32>
    %broadcast_in_dim3A_13 = vector.shape_cast %broadcast_in_dim3A : vector<32x1x256xf32> to vector<32x1x256xf32>
    %broadcast_in_dim3A_14 = vector.broadcast %broadcast_in_dim3A_13 : vector<32x1x256xf32> to vector<32x32x256xf32>
    %reshape3A = vector.shape_cast %broadcast_in_dim3A_14 : vector<32x32x256xf32> to vector<1024x256xf32>
    %broadcast_in_dim3A_15 = vector.shape_cast %sin3A : vector<32x256xf32> to vector<32x1x256xf32>
    %broadcast_in_dim3A_16 = vector.shape_cast %broadcast_in_dim3A_15 : vector<32x1x256xf32> to vector<32x1x256xf32>
    %broadcast_in_dim3A_17 = vector.broadcast %broadcast_in_dim3A_16 : vector<32x1x256xf32> to vector<32x32x256xf32>
    %reshape3A_18 = vector.shape_cast %broadcast_in_dim3A_17 : vector<32x32x256xf32> to vector<1024x256xf32>
    %broadcast_in_dim3A_19 = vector.shape_cast %cos3A_11 : vector<32x256xf32> to vector<1x32x256xf32>
    %broadcast_in_dim3A_20 = vector.shape_cast %broadcast_in_dim3A_19 : vector<1x32x256xf32> to vector<1x32x256xf32>
    %broadcast_in_dim3A_21 = vector.broadcast %broadcast_in_dim3A_20 : vector<1x32x256xf32> to vector<32x32x256xf32>
    %reshape3A_22 = vector.shape_cast %broadcast_in_dim3A_21 : vector<32x32x256xf32> to vector<1024x256xf32>
    %broadcast_in_dim3A_23 = vector.shape_cast %sin3A_12 : vector<32x256xf32> to vector<1x32x256xf32>
    %broadcast_in_dim3A_24 = vector.shape_cast %broadcast_in_dim3A_23 : vector<1x32x256xf32> to vector<1x32x256xf32>
    %broadcast_in_dim3A_25 = vector.broadcast %broadcast_in_dim3A_24 : vector<1x32x256xf32> to vector<32x32x256xf32>
    %reshape3A_26 = vector.shape_cast %broadcast_in_dim3A_25 : vector<32x32x256xf32> to vector<1024x256xf32>
    %mul3A_27 = arith.mulf %reshape3A, %reshape3A_22 : vector<1024x256xf32>
    %mul3A_28 = arith.mulf %reshape3A_18, %reshape3A_26 : vector<1024x256xf32>
    %sub3A = arith.subf %mul3A_27, %mul3A_28 : vector<1024x256xf32>
    %mul3A_29 = arith.mulf %reshape3A_18, %reshape3A_22 : vector<1024x256xf32>
    %mul3A_30 = arith.mulf %reshape3A, %reshape3A_26 : vector<1024x256xf32>
    %add3A = arith.addf %mul3A_29, %mul3A_30 : vector<1024x256xf32>
    %get3A = arith.constant 0 : index
    %get3A_31 = arith.constant 0 : index
    %get3A_32 = vector.load %arg0[%get3A, %get3A_31] : memref<256x256xf32, #tpu.memory_space<vmem>>, vector<256x256xf32>
    %dot_general3A = arith.constant dense<0.000000e+00> : vector<1024x256xf32>
    %dot_general3A_33 = tpu.matmul %sub3A, %get3A_32, %dot_general3A {dimension_numbers = #tpu.dot_dimension_numbers<[1], [0], [0], [1], [0, 0, 1, 1], [], []>, transpose_lhs_hint = false} : vector<1024x256xf32>, vector<256x256xf32>, vector<1024x256xf32> -> vector<1024x256xf32>
    %get3A_34 = arith.constant 0 : index
    %get3A_35 = arith.constant 0 : index
    %get3A_36 = vector.load %arg1[%get3A_34, %get3A_35] : memref<256x256xf32, #tpu.memory_space<vmem>>, vector<256x256xf32>
    %dot_general3A_37 = arith.constant dense<0.000000e+00> : vector<1024x256xf32>
    %dot_general3A_38 = tpu.matmul %add3A, %get3A_36, %dot_general3A_37 {dimension_numbers = #tpu.dot_dimension_numbers<[1], [0], [0], [1], [0, 0, 1, 1], [], []>, transpose_lhs_hint = false} : vector<1024x256xf32>, vector<256x256xf32>, vector<1024x256xf32> -> vector<1024x256xf32>
    %sub3A_39 = arith.subf %dot_general3A_33, %dot_general3A_38 : vector<1024x256xf32>
    %get3A_40 = arith.constant 0 : index
    %get3A_41 = arith.constant 0 : index
    %get3A_42 = vector.load %arg2[%get3A_40, %get3A_41] : memref<1x256xf32, #tpu.memory_space<vmem>>, vector<1x256xf32>
    %add3A_43 = vector.broadcast %get3A_42 : vector<1x256xf32> to vector<1024x256xf32>
    %add3A_44 = arith.addf %sub3A_39, %add3A_43 : vector<1024x256xf32>
    %get3A_45 = arith.constant 0 : index
    %get3A_46 = arith.constant 0 : index
    %get3A_47 = vector.load %arg1[%get3A_45, %get3A_46] : memref<256x256xf32, #tpu.memory_space<vmem>>, vector<256x256xf32>
    %dot_general3A_48 = arith.constant dense<0.000000e+00> : vector<1024x256xf32>
    %dot_general3A_49 = tpu.matmul %sub3A, %get3A_47, %dot_general3A_48 {dimension_numbers = #tpu.dot_dimension_numbers<[1], [0], [0], [1], [0, 0, 1, 1], [], []>, transpose_lhs_hint = false} : vector<1024x256xf32>, vector<256x256xf32>, vector<1024x256xf32> -> vector<1024x256xf32>
    %get3A_50 = arith.constant 0 : index
    %get3A_51 = arith.constant 0 : index
    %get3A_52 = vector.load %arg0[%get3A_50, %get3A_51] : memref<256x256xf32, #tpu.memory_space<vmem>>, vector<256x256xf32>
    %dot_general3A_53 = arith.constant dense<0.000000e+00> : vector<1024x256xf32>
    %dot_general3A_54 = tpu.matmul %add3A, %get3A_52, %dot_general3A_53 {dimension_numbers = #tpu.dot_dimension_numbers<[1], [0], [0], [1], [0, 0, 1, 1], [], []>, transpose_lhs_hint = false} : vector<1024x256xf32>, vector<256x256xf32>, vector<1024x256xf32> -> vector<1024x256xf32>
    %add3A_55 = arith.addf %dot_general3A_49, %dot_general3A_54 : vector<1024x256xf32>
    %get3A_56 = arith.constant 0 : index
    %get3A_57 = arith.constant 0 : index
    %get3A_58 = vector.load %arg3[%get3A_56, %get3A_57] : memref<1x256xf32, #tpu.memory_space<vmem>>, vector<1x256xf32>
    %add3A_59 = vector.broadcast %get3A_58 : vector<1x256xf32> to vector<1024x256xf32>
    %add3A_60 = arith.addf %add3A_55, %add3A_59 : vector<1024x256xf32>
    %neg3A = arith.constant 0.000000e+00 : f32
    %neg3A_61 = vector.broadcast %neg3A : f32 to vector<1024x256xf32>
    %neg3A_62 = arith.subf %neg3A_61, %add3A_44 : vector<1024x256xf32>
    %exp3A_63 = math.exp %neg3A_62 : vector<1024x256xf32>
    %add3A_64 = arith.constant 1.000000e+00 : f32
    %add3A_65 = vector.broadcast %add3A_64 : f32 to vector<1024x256xf32>
    %add3A_66 = arith.addf %add3A_65, %exp3A_63 : vector<1024x256xf32>
    %div3A_67 = arith.constant 1.000000e+00 : f32
    %div3A_68 = vector.broadcast %div3A_67 : f32 to vector<1024x256xf32>
    %div3A_69 = arith.divf %div3A_68, %add3A_66 : vector<1024x256xf32>
    %mul3A_70 = arith.mulf %add3A_44, %div3A_69 : vector<1024x256xf32>
    %neg3A_71 = arith.constant 0.000000e+00 : f32
    %neg3A_72 = vector.broadcast %neg3A_71 : f32 to vector<1024x256xf32>
    %neg3A_73 = arith.subf %neg3A_72, %add3A_60 : vector<1024x256xf32>
    %exp3A_74 = math.exp %neg3A_73 : vector<1024x256xf32>
    %add3A_75 = arith.constant 1.000000e+00 : f32
    %add3A_76 = vector.broadcast %add3A_75 : f32 to vector<1024x256xf32>
    %add3A_77 = arith.addf %add3A_76, %exp3A_74 : vector<1024x256xf32>
    %div3A_78 = arith.constant 1.000000e+00 : f32
    %div3A_79 = vector.broadcast %div3A_78 : f32 to vector<1024x256xf32>
    %div3A_80 = arith.divf %div3A_79, %add3A_77 : vector<1024x256xf32>
    %mul3A_81 = arith.mulf %add3A_60, %div3A_80 : vector<1024x256xf32>
    %get3A_82 = arith.constant 0 : index
    %get3A_83 = arith.constant 0 : index
    %get3A_84 = vector.load %arg4[%get3A_82, %get3A_83] : memref<256x512xf32, #tpu.memory_space<vmem>>, vector<256x512xf32>
    %dot_general3A_85 = arith.constant dense<0.000000e+00> : vector<1024x512xf32>
    %dot_general3A_86 = tpu.matmul %mul3A_70, %get3A_84, %dot_general3A_85 {dimension_numbers = #tpu.dot_dimension_numbers<[1], [0], [0], [1], [0, 0, 1, 1], [], []>, transpose_lhs_hint = false} : vector<1024x256xf32>, vector<256x512xf32>, vector<1024x512xf32> -> vector<1024x512xf32>
    %get3A_87 = arith.constant 0 : index
    %get3A_88 = arith.constant 0 : index
    %get3A_89 = vector.load %arg5[%get3A_87, %get3A_88] : memref<256x512xf32, #tpu.memory_space<vmem>>, vector<256x512xf32>
    %dot_general3A_90 = arith.constant dense<0.000000e+00> : vector<1024x512xf32>
    %dot_general3A_91 = tpu.matmul %mul3A_81, %get3A_89, %dot_general3A_90 {dimension_numbers = #tpu.dot_dimension_numbers<[1], [0], [0], [1], [0, 0, 1, 1], [], []>, transpose_lhs_hint = false} : vector<1024x256xf32>, vector<256x512xf32>, vector<1024x512xf32> -> vector<1024x512xf32>
    %add3A_92 = arith.addf %dot_general3A_86, %dot_general3A_91 : vector<1024x512xf32>
    %get3A_93 = arith.constant 0 : index
    %get3A_94 = arith.constant 0 : index
    %get3A_95 = vector.load %arg6[%get3A_93, %get3A_94] : memref<1x512xf32, #tpu.memory_space<vmem>>, vector<1x512xf32>
    %add3A_96 = vector.broadcast %get3A_95 : vector<1x512xf32> to vector<1024x512xf32>
    %add3A_97 = arith.addf %add3A_92, %add3A_96 : vector<1024x512xf32>
    %swap3A = arith.constant 0 : index
    %swap3A_98 = arith.constant 0 : index
    %swap3A_99 = vector.load %arg7[%swap3A, %swap3A_98] : memref<1024x512xf32, #tpu.memory_space<vmem>>, vector<1024x512xf32>
    tpu.vector_store %arg7[%swap3A, %swap3A_98], %add3A_97 {strides = array<i32>} : memref<1024x512xf32, #tpu.memory_space<vmem>>, vector<1024x512xf32>,
    return
  }
}

</mosaic_0001>

<sc_bundles>
// kernel: kernel.4.cloned.1.call-start
scs
__scs_entry_jumppad:
0x0: {  	(pc) =	sbr.rel $0x88, $3  }
0x1: {  	(tag) =	ssettag $0x0;
	lr =	simm.s32 $0x1  }
0x2: {  	[smem:$0x3F98] =	sst lr;
	_ =	strace $0xD0000000  }
0x3: {  	_ = 	snop  }
0x4: {  	_ = 	snop  }
0x5: {  	_ = 	snop  }
0x6: {  	_ = 	snop  }
0x7: {  	_ = 	snop  }
__scs_overlays_trampoline_lowered:
0x8: {  	[smem:$0x3FA7] =	sst s0  }
0x9: {  	[smem:$0x3FA8] =	sst s1  }
0xa: {  	[smem:$0x3FA9] =	sst s2  }
0xb: {  	[smem:$0x3FAA] =	sst s3  }
0xc: {  	[smem:$0x3FAB] =	sst s4  }
0xd: {  	[smem:$0x3FAC] =	sst s5  }
0xe: {  	[smem:$0x3FAD] =	sst s6  }
0xf: {  	[smem:$0x3FAE] =	sst s7  }
0x10: {  	[smem:$0x3FAF] =	sst s8  }
0x11: {  	[smem:$0x3FB0] =	sst s9;
	s0 =	simm.s32 @!p0 $0x0  }
0x12: {  	s1 =	sld [smem:$0x3F96];
	s0 =	simm.s32 @p0 $0x1  }
0x13: {  	[smem:$0x3FB1] =	sst s0;
	s0 =	simm.s32 @!p1 $0x0  }
0x14: {  	s2 =	sld [smem:$0x3F95];
	s0 =	simm.s32 @p1 $0x1  }
0x15: {  	[smem:$0x3FB2] =	sst s0;
	s0 =	simm.s32 @!p2 $0x0  }
0x16: {  	s3 =	sld [smem:$0x3FDB];
	s0 =	simm.s32 @p2 $0x1  }
0x17: {  	s4 =	simm.s32 $0x1BF5;
	[smem:$0x3FB4] =	sst s0  }
0x18: {  	s0 =	sld [smem:$0x3F97];
	_ =	swait.ge [sflag:s4], $0x0  }
0x19: {  	s7 =	sld [smem:$0x3F98]  }
0x1a: {  	s8 =	sadd.s32 $0xFFFFE003, lr  }
0x1b: {  	s9 =	sadd.s32 $0xFFFFFEF7, lr;
	s5 =	simm.s32 $0xFFFFFFFF;
	p2 =	slt.u32 s8, $0xFFFFF086  }
0x1c: {  	p1 =	slt.u32 s9, $0xF7A;
	s5 =	simm.s32 @!p2 $0x0  }
0x1d: {  	s5 =	simm.s32 @p1 $0x1;
	p0 =	seq.s32 s7, s2  }
0x1e: {  	s7 =	smul.u32 @!p0 $0xF7A, s2;
	p2 =	seq.s32 @!p0 s5, $0x0  }
0x1f: {  	s9 =	smul.u32 $0xF7A, s1;
	s8 =	simm.s32 @!p0 $0x1BF5;
	p2 =	por !p2, p0  }
0x20: {  	[sflag:s8] =	ssyncset.s32 @!p0 $0xFFFFF086;
	s6 =	sadd.s32 @!p0 s3, s7;
	s7 =	simm.s32 @!p0 $0x108  }
0x21: {  	s3 =	sadd.s32 s3, s9;
	s6 =	sadd.s32 @!p0 $0x88, s6;
	s7 =	simm.s32 @p2 $0x1082  }
0x22: {  	[simem:s7], [sflag:s8] =	dma.local @!p0 [hbm:s6], $0xF7A  }
0x23: {  	s9 =	sor.u32 $0xD0000000, s2;
	s6 =	simm.s32 $0x108;
	_ =	swait.ge @!p0 [sflag:s8], $0x0  }
0x24: {  	s3 =	sadd.s32 $0x88, s3;
	s6 =	simm.s32 @!p1 $0x1082;
	[sflag:s4] =	ssyncset.s32 $0xFFFFF086  }
0x25: {  	[simem:s6], [sflag:s4] =	dma.local [hbm:s3], $0xF7A  }
0x26: {  	[smem:$0x3F98] =	sst s1;
	(tag) =	ssettag s2;
	_ =	strace s9  }
0x27: {  	s1 =	sld [smem:$0x3FA8]  }
0x28: {  	s2 =	sld [smem:$0x3FA9]  }
0x29: {  	s4 =	sld [smem:$0x3FAB]  }
0x2a: {  	p0 =	seq.s32 s5, $0x0;
	s5 =	sld [smem:$0x3FAC]  }
0x2b: {  	s6 =	sld [smem:$0x3FAD]  }
0x2c: {  	s7 =	sld [smem:$0x3FAE]  }
0x2d: {  	s3 =	simm.s32 $0x108;
	s8 =	sld [smem:$0x3FAF]  }
0x2e: {  	s3 =	simm.s32 @!p0 $0x1082;
	s9 =	sld [smem:$0x3FB0]  }
0x2f: {  	lr =	sadd.s32 s0, s3;
	s0 =	sld [smem:$0x3FA7]  }
0x30: {  	s3 =	sld [smem:$0x3FAA]  }
0x31: {  	[smem:$0x3FB3] =	sst s10  }
0x32: {  	s10 =	sld [smem:$0x3FB1];
	_ =	sdelay $0x3  }
0x33: {  	p0 =	seq.s32 s10, $0x1;
	s10 =	sld [smem:$0x3FB3];
	_ =	sdelay $0x3  }
0x34: {  	[smem:$0x3FB3] =	sst s10  }
0x35: {  	s10 =	sld [smem:$0x3FB2];
	_ =	sdelay $0x3  }
0x36: {  	p1 =	seq.s32 s10, $0x1;
	s10 =	sld [smem:$0x3FB3];
	_ =	sdelay $0x3  }
0x37: {  	[smem:$0x3FB3] =	sst s10  }
0x38: {  	s10 =	sld [smem:$0x3FB4]  }
0x39: {  	_ = 	snop;
	(pc) =	sbr.ind lr, $3  }
0x3a: {  	_ = 	snop  }
0x3b: {  	_ = 	snop  }
0x3c: {  	p2 =	seq.s32 s10, $0x1;
	s10 =	sld [smem:$0x3FB3]  }
0x3d: {  	_ =	shalt  }
0x3e: {  	_ =	shalt  }
0x3f: {  	_ =	shalt  }
0x40: {  	_ =	shalt  }
0x41: {  	_ =	shalt  }
0x42: {  	_ =	shalt  }
0x43: {  	_ =	shalt  }
0x44: {  	_ =	shalt  }
0x45: {  	_ =	shalt  }
0x46: {  	_ =	shalt  }
0x47: {  	_ =	shalt  }
0x48: {  	_ =	shalt  }
0x49: {  	_ =	shalt  }
0x4a: {  	_ =	shalt  }
0x4b: {  	_ =	shalt  }
0x4c: {  	_ =	shalt  }
0x4d: {  	_ =	shalt  }
0x4e: {  	_ =	shalt  }
0x4f: {  	_ =	shalt  }
0x50: {  	_ =	shalt  }
0x51: {  	_ =	shalt  }
0x52: {  	_ =	shalt  }
0x53: {  	_ =	shalt  }
0x54: {  	_ =	shalt  }
0x55: {  	_ =	shalt  }
0x56: {  	_ =	shalt  }
0x57: {  	_ =	shalt  }
0x58: {  	_ =	shalt  }
0x59: {  	_ =	shalt  }
0x5a: {  	_ =	shalt  }
0x5b: {  	_ =	shalt  }
0x5c: {  	_ =	shalt  }
0x5d: {  	_ =	shalt  }
0x5e: {  	_ =	shalt  }
0x5f: {  	_ =	shalt  }
0x60: {  	_ =	shalt  }
0x61: {  	_ =	shalt  }
0x62: {  	_ =	shalt  }
0x63: {  	_ =	shalt  }
0x64: {  	_ =	shalt  }
0x65: {  	_ =	shalt  }
0x66: {  	_ =	shalt  }
0x67: {  	_ =	shalt  }
0x68: {  	_ =	shalt  }
0x69: {  	_ =	shalt  }
0x6a: {  	_ =	shalt  }
0x6b: {  	_ =	shalt  }
0x6c: {  	_ =	shalt  }
0x6d: {  	_ =	shalt  }
0x6e: {  	_ =	shalt  }
0x6f: {  	_ =	shalt  }
0x70: {  	_ =	shalt  }
0x71: {  	_ =	shalt  }
0x72: {  	_ =	shalt  }
0x73: {  	_ =	shalt  }
0x74: {  	_ =	shalt  }
0x75: {  	_ =	shalt  }
0x76: {  	_ =	shalt  }
0x77: {  	_ =	shalt  }
0x78: {  	_ =	shalt  }
0x79: {  	_ =	shalt  }
0x7a: {  	_ =	shalt  }
0x7b: {  	_ =	shalt  }
0x7c: {  	_ =	shalt  }
0x7d: {  	_ =	shalt  }
0x7e: {  	_ =	shalt  }
0x7f: {  	_ =	shalt  }
0x80: {  	_ =	shalt  }
0x81: {  	_ =	shalt  }
0x82: {  	_ =	shalt  }
0x83: {  	_ =	shalt  }
0x84: {  	_ =	shalt  }
0x85: {  	_ =	shalt  }
0x86: {  	_ =	shalt  }
0x87: {  	_ =	shalt  }
.Lfunc_end0:
.L_simem_size_0:
called_computation_lowered:
.L_overlay_start_0:
0x88: {  	s2 =	sld [smem:$0x3FD9]  }
0x89: {  	s3 =	sld [smem:$0x3FFE];
	_ =	sdelay $0x1  }
0x8a: {  	s1 =	srdreg.scid  }
0x8b: {  	s0 =	sand.u32 $0x1, s1  }
0x8c: {  	s17 =	sshll.u32 s0, $0xA;
	s2 =	sadd.s32 s3, s2  }
0x8d: {  	s2 =	sadd.s32 s2, s17  }
0x8e: {  	[smem:$0x3FBF] =	sst s2  }
0x8f: {  	_ = 	snop  }
0x90: {  	s2 =	sld [smem:$0x3FC9]  }
0x91: {  	s18 =	sld [smem:$0x3FD0];
	(tm) =	ssettm $0x1  }
0x92: {  	s4 =	sld [smem:$0x3FFB];
	_ =	sdelay $0x3  }
0x93: {  	_ =	strace s4  }
0x94: {  	s4 =	sld [smem:$0x3FFC];
	_ =	sdelay $0x3  }
0x95: {  	_ =	strace s4  }
0x96: {  	s4 =	sld [smem:$0x3FFD];
	_ =	sdelay $0x3  }
0x97: {  	_ =	strace s4  }
0x98: {  	_ =	strace $0x8FFFFFFF  }
0x99: {  	s19 =	sld [smem:$0x3FDB];
	_ =	sdelay $0x1  }
0x9a: {  	s5 =	simm.s32 $_scs_section_size  }
0x9b: {  	s6 =	simm.s32 $_size__tile_overlayer_lowered;
	s7 =	simm.s32 $_tile_overlayer_lowered  }
0x9c: {  	s22 =	simm.s32 $0x1BFF;
	s21 =	sshll.u32 s7, $0x1;
	s4 =	sadd.s32 s5, s19  }
0x9d: {  	s8 =	simm.s32 $0x0;
	s20 =	sshll.u32 s6, $0x1;
	s6 =	sadd.s32 s21, s4  }
0x9e: {  	[timem:s8], [sflag:s22] =	dma.local [hbm:s6], s20  }
0x9f: {  	_ =	swait.ge [sflag:s22], s20  }
0xa0: {  	s5 =	ssub.s32 $0x0, s20;
	[sflag:s22] =	ssyncset.done $0x0  }
0xa1: {  	[sflag:s22] =	ssyncadd.s32 s5;
	_ =	sdelay $0x1  }
0xa2: {  	s23 =	simm.s32 $0x1B8B  }
0xa3: {  	_ =	swait.ge [sflag:s23], $0x1  }
0xa4: {  	[sflag:s23] =	ssyncset.done $0x0  }
0xa5: {  	s25 =	simm.s32 $0x1B8E;
	s24 =	sld [smem:$0x3FFE];
	[sflag:s23] =	ssyncadd.s32 $0xFFFFFFFF  }
0xa6: {  	s26 =	simm.s32 $execute0_lowered;
	[smem:$0x3FD2] =	sst s25  }
0xa7: {  	s6 =	sshll.u32 s26, $0x1;
	_ =	strace $0x80000046;
	[dreg:$0x1] =	wrdreg $0xFFFFFFFF  }
0xa8: {  	s28 =	simm.s32 $_size_execute0_lowered;
	s4 =	sadd.s32 s4, s6;
	[dreg:$0x0] =	wrdreg $0x0  }
0xa9: {  	s6 =	sshll.u32 s28, $0x1;
	[dreg:$0x2] =	wrdreg s4  }
0xaa: {  	[dreg:$0x3] =	wrdreg s6  }
0xab: {  	[dreg:$0x4] =	wrdreg $0xC0  }
0xac: {  	_ =	task [dreg:s8], $0x5FFFF  }
0xad: {  	[dreg:$0x1] =	wrdreg $0xFFFFFFFF  }
0xae: {  	[dreg:$0x0] =	wrdreg $0x60  }
0xaf: {  	[dreg:$0x2] =	wrdreg s24  }
0xb0: {  	[dreg:$0x3] =	wrdreg s2  }
0xb1: {  	[dreg:$0x4] =	wrdreg s18  }
0xb2: {  	[dreg:$0x5] =	wrdreg $0x102000  }
0xb3: {  	[dreg:$0x6] =	wrdreg $0x9  }
0xb4: {  	_ =	task.clear_ibuf [dreg:s8], $0x7FFFF;
	_ =	strace $0x90000046  }
0xb5: {  	s29 =	simm.s32 $0x9;
	_ =	strace $0x80000048  }
0xb6: {  	_ =	swait.ge [sflag:s29], $0x1  }
0xb7: {  	[sflag:s29] =	ssyncadd.s32 $0xFFFFFFFF  }
0xb8: {  	_ =	strace $0x90000048  }
0xb9: {  	_ =	sfence  }
0xba: {  	s30 =	sld [smem:$0x0];
	_ =	sdelay $0x2  }
0xbb: {  	s31 =	sshll.u32 s1, $0xD;
	s1 =	sshrl.u32 s1, $0x2  }
0xbc: {  	s3 =	sand.u32 $0x4000, s31;
	s1 =	sadd.s32 s1, s30  }
0xbd: {  	s0 =	sor.u32 s3, s0;
	s1 =	sshll.u32 s1, $0x11  }
0xbe: {  	s0 =	sor.u32 s1, s0  }
0xbf: {  	s0 =	sadd.s32 $0x8F2B, s0  }
0xc0: {  	[sflag:s0] =	ssyncadd.remote.s32 $0x1  }
0xc1: {  	_ =	sfence.sel $0xFFFF  }
0xc2: {  	[dreg:$0x0] =	wrdreg $0xFFFFFFFF;
	(pc) =	sbr.abs _section_cstart, $3  }
0xc3: {  	[dreg:$0x1] =	wrdreg $0xFFFFFFFF  }
0xc4: {  	_ =	task.clear_ibuf [dreg:s8], $0x2FFFF;
	_ =	strace $0x9FFFFFFF  }
0xc5: {  	(tm) =	ssettm $0x7FFFFFFF  }
tec
execute0_lowered:
.L_overlay_start_1:
0x0: {  	(tag) =	ssettag $0x1  }
0x1: {  	s4 =	rddreg [dreg:$0x0]  }
0x2: {  	s8 =	rddreg [dreg:$0x1]  }
0x3: {  	s12 =	rddreg [dreg:$0x2]  }
0x4: {  	s2 =	rddreg [dreg:$0x3];
	s3 =	simm.s32 $0x0;
	s1 =	stileid.u32  }
0x5: {  	s6 =	srdreg.scid;
	s7 =	simm.s32 $0x5;
	[smem:$0x7FF] =	sst s3  }
0x6: {  	s5 =	sshll.u32 s1, $0xC;
	s30 =	sand.u32 $0x1, s6;
	s9 =	sshll.u32 s1, $0xA  }
0x7: {  	s24 =	sshll.u32 s1, $0xF;
	s26 =	sshll.u32 s1, $0x6;
	_ =	strace $0x80000047  }
0x8: {  	s4 =	sadd.s32 s5, s4;
	s10 =	sshll.u32 s30, $0x9;
	s25 =	sadd.s32 s24, s2  }
0x9: {  	s5 =	sor.u32 $0x1C05, s26;
	s4 =	sadd.s32 $0x1200, s4;
	s6 =	sshrl.u32 s25, $0x3  }
0xa: {  	[spmem:s6], [sflag:s5] =	dma.local [hbm:s4], $0x1000  }
0xb: {  	s13 =	sor.u32 s10, s9;
	_ =	swait.ge [sflag:s7], $0x1000  }
0xc: {  	s9 =	sshrl.u32 s13, $0x3;
	[sflag:s7] =	ssyncset.done $0x0  }
0xd: {  	s8 =	sadd.s32 s8, s9;
	[sflag:s7] =	ssyncadd.s32 $0xFFFFF000  }
0xe: {  	[tilespmem:s3], [sflag:$0x5] =	stream.linear.gather [hbm4b:s8+s3], $0x200, $0x38;
	[tilespmem:$0x18200] =	vst v63  }
0xf: {  	_ =	swait.ge [sflag:s7], $0x200  }
0x10: {  	[sflag:s7] =	ssyncset.done $0x0  }
0x11: {  	s11 =	simm.s32 $0x1;
	[sflag:s7] =	ssyncadd.s32 $0xFFFFFE00  }
0x12: {  	s10 =	simm.s32 $0x200;
	s9 =	simm.s32 $0x40;
	[bflag:$0x0] =	sbarrier.arrive $0xFFFF  }
0x13: {  	[tilespmem:s10], [sflag:$0x1] =	stream.indirect.gather [spmem:s2], $0x200, s3, s9, $0xb8;
	[tilespmem:$0x18200] =	vst v63  }
0x14: {  	_ =	swait.ge [sflag:s11], $0x8000  }
0x15: {  	s13 =	sshll.u32 s13, $0x6;
	[sflag:s11] =	ssyncset.done $0x0  }
0x16: {  	s12 =	sadd.s32 s12, s13;
	s13 =	simm.s32 $0x3;
	[sflag:s11] =	ssyncadd.s32 $0xFFFF8000  }
0x17: {  	[hbm4b:s12+s3] =	stream.linear.scatter [tilespmem:s10], [sflag:$0x3], $0x8000, $0x38;
	[tilespmem:$0x18200] =	vst v63  }
0x18: {  	_ =	swait.ge [sflag:s13], $0x8000  }
0x19: {  	[sflag:s13] =	ssyncset.done $0x0  }
0x1a: {  	s14 =	simm.s32 $0x80;
	[sflag:s13] =	ssyncadd.s32 $0xFFFF8000  }
0x1b: {  	[tilespmem:s10], [sflag:$0x1] =	stream.indirect.gather [spmem:s2], $0x200, s14, s9, $0xb8;
	[tilespmem:$0x18200] =	vst v63  }
0x1c: {  	s15 =	simm.s32 $0x8200;
	s16 =	simm.s32 $0x2  }
0x1d: {  	[tilespmem:s15], [sflag:$0x2] =	stream.indirect.gather [spmem:s2], $0x200, s9, s9, $0xb8;
	[tilespmem:$0x18200] =	vst v63  }
0x1e: {  	_ =	swait.ge [sflag:s16], $0x8000  }
0x1f: {  	[sflag:s16] =	ssyncset.done $0x0  }
0x20: {  	s17 =	simm.s32 $0x4;
	s18 =	sadd.s32 $0x1000, s12;
	[sflag:s16] =	ssyncadd.s32 $0xFFFF8000  }
0x21: {  	[hbm4b:s18+s3] =	stream.linear.scatter [tilespmem:s15], [sflag:$0x4], $0x8000, $0x38;
	[tilespmem:$0x18200] =	vst v63  }
0x22: {  	_ =	swait.ge [sflag:s17], $0x8000  }
0x23: {  	[sflag:s17] =	ssyncset.done $0x0  }
0x24: {  	s19 =	simm.s32 $0xC0;
	[sflag:s17] =	ssyncadd.s32 $0xFFFF8000  }
0x25: {  	[tilespmem:s15], [sflag:$0x2] =	stream.indirect.gather [spmem:s2], $0x200, s19, s9, $0xb8;
	[tilespmem:$0x18200] =	vst v63  }
0x26: {  	_ =	swait.ge [sflag:s11], $0x8000  }
0x27: {  	[sflag:s11] =	ssyncset.done $0x0  }
0x28: {  	s20 =	sadd.s32 $0x2000, s12;
	[sflag:s11] =	ssyncadd.s32 $0xFFFF8000  }
0x29: {  	[hbm4b:s20+s3] =	stream.linear.scatter [tilespmem:s10], [sflag:$0x3], $0x8000, $0x38;
	[tilespmem:$0x18200] =	vst v63  }
0x2a: {  	_ =	swait.ge [sflag:s13], $0x8000  }
0x2b: {  	[sflag:s13] =	ssyncset.done $0x0  }
0x2c: {  	s21 =	simm.s32 $0x100;
	[sflag:s13] =	ssyncadd.s32 $0xFFFF8000  }
0x2d: {  	[tilespmem:s10], [sflag:$0x1] =	stream.indirect.gather [spmem:s2], $0x200, s21, s9, $0xb8;
	[tilespmem:$0x18200] =	vst v63  }
0x2e: {  	_ =	swait.ge [sflag:s16], $0x8000  }
0x2f: {  	[sflag:s16] =	ssyncset.done $0x0  }
0x30: {  	s22 =	sadd.s32 $0x3000, s12;
	[sflag:s16] =	ssyncadd.s32 $0xFFFF8000  }
0x31: {  	[hbm4b:s22+s3] =	stream.linear.scatter [tilespmem:s15], [sflag:$0x4], $0x8000, $0x38;
	[tilespmem:$0x18200] =	vst v63  }
0x32: {  	_ =	swait.ge [sflag:s17], $0x8000  }
0x33: {  	[sflag:s17] =	ssyncset.done $0x0  }
0x34: {  	s23 =	simm.s32 $0x140;
	[sflag:s17] =	ssyncadd.s32 $0xFFFF8000  }
0x35: {  	[tilespmem:s15], [sflag:$0x2] =	stream.indirect.gather [spmem:s2], $0x200, s23, s9, $0xb8;
	[tilespmem:$0x18200] =	vst v63  }
0x36: {  	_ =	swait.ge [sflag:s11], $0x8000  }
0x37: {  	[sflag:s11] =	ssyncset.done $0x0  }
0x38: {  	s24 =	sadd.s32 $0x4000, s12;
	[sflag:s11] =	ssyncadd.s32 $0xFFFF8000  }
0x39: {  	[hbm4b:s24+s3] =	stream.linear.scatter [tilespmem:s10], [sflag:$0x3], $0x8000, $0x38;
	[tilespmem:$0x18200] =	vst v63  }
0x3a: {  	_ =	swait.ge [sflag:s13], $0x8000  }
0x3b: {  	[sflag:s13] =	ssyncset.done $0x0  }
0x3c: {  	s25 =	simm.s32 $0x180;
	[sflag:s13] =	ssyncadd.s32 $0xFFFF8000  }
0x3d: {  	[tilespmem:s10], [sflag:$0x1] =	stream.indirect.gather [spmem:s2], $0x200, s25, s9, $0xb8;
	[tilespmem:$0x18200] =	vst v63  }
0x3e: {  	_ =	swait.ge [sflag:s16], $0x8000  }
0x3f: {  	[sflag:s16] =	ssyncset.done $0x0  }
0x40: {  	s26 =	sadd.s32 $0x5000, s12;
	[sflag:s16] =	ssyncadd.s32 $0xFFFF8000  }
0x41: {  	[hbm4b:s26+s3] =	stream.linear.scatter [tilespmem:s15], [sflag:$0x4], $0x8000, $0x38;
	[tilespmem:$0x18200] =	vst v63  }
0x42: {  	_ =	swait.ge [sflag:s17], $0x8000  }
0x43: {  	[sflag:s17] =	ssyncset.done $0x0  }
0x44: {  	s28 =	simm.s32 $0x1C0;
	[sflag:s17] =	ssyncadd.s32 $0xFFFF8000  }
0x45: {  	[tilespmem:s15], [sflag:$0x2] =	stream.indirect.gather [spmem:s2], $0x200, s28, s9, $0xb8;
	[tilespmem:$0x18200] =	vst v63  }
0x46: {  	_ =	swait.ge [sflag:s11], $0x8000  }
0x47: {  	s31 =	ssub.s32 $0x2, s30;
	[sflag:s11] =	ssyncset.done $0x0  }
0x48: {  	s0 =	sshrl.u32 s31, $0x1;
	s29 =	sadd.s32 $0x6000, s12;
	[sflag:s11] =	ssyncadd.s32 $0xFFFF8000  }
0x49: {  	[hbm4b:s29+s3] =	stream.linear.scatter [tilespmem:s10], [sflag:$0x3], $0x8000, $0x38;
	[tilespmem:$0x18200] =	vst v63  }
0x4a: {  	s0 =	ssub.s32 s31, s0;
	_ =	swait.ge [sflag:s16], $0x8000  }
0x4b: {  	s0 =	smax.u32 s0, $0x1;
	[sflag:s16] =	ssyncset.done $0x0  }
0x4c: {  	s30 =	sadd.s32 $0x7000, s12;
	p0 =	sne.s32 s0, $0x1;
	[sflag:s16] =	ssyncadd.s32 $0xFFFF8000  }
0x4d: {  	[hbm4b:s30+s3] =	stream.linear.scatter [tilespmem:s15], [sflag:$0x4], $0x8000, $0x38;
	[tilespmem:$0x18200] =	vst v63  }
.Ltmp0:
0x4e: {  	_ =	swait.ge [sflag:s13], $0x8000;
	(pc) =	sbr.rel @!p0 .LBB2_2-.Ltmp0, $4  }
0x4f: {  	[sflag:s13] =	ssyncset.done $0x0  }
0x50: {  	[sflag:s13] =	ssyncadd.s32 $0xFFFF8000  }
0x51: {  	_ =	swait.ge [sflag:s17], $0x8000  }
0x52: {  	s31 =	sadd.s32 $0xFFFFFFFF, s0;
	[sflag:s17] =	ssyncset.done $0x0  }
.LBB2_1:
0x53: {  	p0 =	sne.s32 s31, $0x1;
	s31 =	sadd.s32 $0xFFFFFFFF, s31;
	[sflag:s17] =	ssyncadd.s32 $0xFFFF8000  }
0x54: {  	[spmem:s6], [sflag:s5] =	dma.local [hbm:s4], $0x1000  }
0x55: {  	_ =	swait.ge [sflag:s7], $0x1000  }
0x56: {  	[sflag:s7] =	ssyncset.done $0x0  }
0x57: {  	[sflag:s7] =	ssyncadd.s32 $0xFFFFF000  }
0x58: {  	[tilespmem:s3], [sflag:$0x5] =	stream.linear.gather [hbm4b:s8+s3], $0x200, $0x38;
	[tilespmem:$0x18200] =	vst v63  }
0x59: {  	_ =	swait.ge [sflag:s7], $0x200  }
0x5a: {  	[sflag:s7] =	ssyncset.done $0x0  }
0x5b: {  	[sflag:s7] =	ssyncadd.s32 $0xFFFFFE00  }
0x5c: {  	[bflag:$0x0] =	sbarrier.arrive $0xFFFF  }
0x5d: {  	[tilespmem:s10], [sflag:$0x1] =	stream.indirect.gather [spmem:s2], $0x200, s3, s9, $0xb8;
	[tilespmem:$0x18200] =	vst v63  }
0x5e: {  	_ =	swait.ge [sflag:s11], $0x8000  }
0x5f: {  	[sflag:s11] =	ssyncset.done $0x0  }
0x60: {  	[sflag:s11] =	ssyncadd.s32 $0xFFFF8000  }
0x61: {  	[hbm4b:s12+s3] =	stream.linear.scatter [tilespmem:s10], [sflag:$0x3], $0x8000, $0x38;
	[tilespmem:$0x18200] =	vst v63  }
0x62: {  	_ =	swait.ge [sflag:s13], $0x8000  }
0x63: {  	[sflag:s13] =	ssyncset.done $0x0  }
0x64: {  	[sflag:s13] =	ssyncadd.s32 $0xFFFF8000  }
0x65: {  	[tilespmem:s10], [sflag:$0x1] =	stream.indirect.gather [spmem:s2], $0x200, s14, s9, $0xb8;
	[tilespmem:$0x18200] =	vst v63  }
0x66: {  	_ = 	snop  }
0x67: {  	[tilespmem:s15], [sflag:$0x2] =	stream.indirect.gather [spmem:s2], $0x200, s9, s9, $0xb8;
	[tilespmem:$0x18200] =	vst v63  }
0x68: {  	_ =	swait.ge [sflag:s16], $0x8000  }
0x69: {  	[sflag:s16] =	ssyncset.done $0x0  }
0x6a: {  	[sflag:s16] =	ssyncadd.s32 $0xFFFF8000  }
0x6b: {  	[hbm4b:s18+s3] =	stream.linear.scatter [tilespmem:s15], [sflag:$0x4], $0x8000, $0x38;
	[tilespmem:$0x18200] =	vst v63  }
0x6c: {  	_ =	swait.ge [sflag:s17], $0x8000  }
0x6d: {  	[sflag:s17] =	ssyncset.done $0x0  }
0x6e: {  	[sflag:s17] =	ssyncadd.s32 $0xFFFF8000  }
0x6f: {  	[tilespmem:s15], [sflag:$0x2] =	stream.indirect.gather [spmem:s2], $0x200, s19, s9, $0xb8;
	[tilespmem:$0x18200] =	vst v63  }
0x70: {  	_ =	swait.ge [sflag:s11], $0x8000  }
0x71: {  	[sflag:s11] =	ssyncset.done $0x0  }
0x72: {  	[sflag:s11] =	ssyncadd.s32 $0xFFFF8000  }
0x73: {  	[hbm4b:s20+s3] =	stream.linear.scatter [tilespmem:s10], [sflag:$0x3], $0x8000, $0x38;
	[tilespmem:$0x18200] =	vst v63  }
0x74: {  	_ =	swait.ge [sflag:s13], $0x8000  }
0x75: {  	[sflag:s13] =	ssyncset.done $0x0  }
0x76: {  	[sflag:s13] =	ssyncadd.s32 $0xFFFF8000  }
0x77: {  	[tilespmem:s10], [sflag:$0x1] =	stream.indirect.gather [spmem:s2], $0x200, s21, s9, $0xb8;
	[tilespmem:$0x18200] =	vst v63  }
0x78: {  	_ =	swait.ge [sflag:s16], $0x8000  }
0x79: {  	[sflag:s16] =	ssyncset.done $0x0  }
0x7a: {  	[sflag:s16] =	ssyncadd.s32 $0xFFFF8000  }
0x7b: {  	[hbm4b:s22+s3] =	stream.linear.scatter [tilespmem:s15], [sflag:$0x4], $0x8000, $0x38;
	[tilespmem:$0x18200] =	vst v63  }
0x7c: {  	_ =	swait.ge [sflag:s17], $0x8000  }
0x7d: {  	[sflag:s17] =	ssyncset.done $0x0  }
0x7e: {  	[sflag:s17] =	ssyncadd.s32 $0xFFFF8000  }
0x7f: {  	[tilespmem:s15], [sflag:$0x2] =	stream.indirect.gather [spmem:s2], $0x200, s23, s9, $0xb8;
	[tilespmem:$0x18200] =	vst v63  }
0x80: {  	_ =	swait.ge [sflag:s11], $0x8000  }
0x81: {  	[sflag:s11] =	ssyncset.done $0x0  }
0x82: {  	[sflag:s11] =	ssyncadd.s32 $0xFFFF8000  }
0x83: {  	[hbm4b:s24+s3] =	stream.linear.scatter [tilespmem:s10], [sflag:$0x3], $0x8000, $0x38;
	[tilespmem:$0x18200] =	vst v63  }
0x84: {  	_ =	swait.ge [sflag:s13], $0x8000  }
0x85: {  	[sflag:s13] =	ssyncset.done $0x0  }
0x86: {  	[sflag:s13] =	ssyncadd.s32 $0xFFFF8000  }
0x87: {  	[tilespmem:s10], [sflag:$0x1] =	stream.indirect.gather [spmem:s2], $0x200, s25, s9, $0xb8;
	[tilespmem:$0x18200] =	vst v63  }
0x88: {  	_ =	swait.ge [sflag:s16], $0x8000  }
0x89: {  	[sflag:s16] =	ssyncset.done $0x0  }
0x8a: {  	[sflag:s16] =	ssyncadd.s32 $0xFFFF8000  }
0x8b: {  	[hbm4b:s26+s3] =	stream.linear.scatter [tilespmem:s15], [sflag:$0x4], $0x8000, $0x38;
	[tilespmem:$0x18200] =	vst v63  }
0x8c: {  	_ =	swait.ge [sflag:s17], $0x8000  }
0x8d: {  	[sflag:s17] =	ssyncset.done $0x0  }
0x8e: {  	[sflag:s17] =	ssyncadd.s32 $0xFFFF8000  }
0x8f: {  	[tilespmem:s15], [sflag:$0x2] =	stream.indirect.gather [spmem:s2], $0x200, s28, s9, $0xb8;
	[tilespmem:$0x18200] =	vst v63  }
0x90: {  	_ =	swait.ge [sflag:s11], $0x8000  }
0x91: {  	[sflag:s11] =	ssyncset.done $0x0  }
0x92: {  	[sflag:s11] =	ssyncadd.s32 $0xFFFF8000  }
0x93: {  	[hbm4b:s29+s3] =	stream.linear.scatter [tilespmem:s10], [sflag:$0x3], $0x8000, $0x38;
	[tilespmem:$0x18200] =	vst v63  }
0x94: {  	_ =	swait.ge [sflag:s16], $0x8000  }
0x95: {  	[sflag:s16] =	ssyncset.done $0x0  }
0x96: {  	[sflag:s16] =	ssyncadd.s32 $0xFFFF8000  }
0x97: {  	[hbm4b:s30+s3] =	stream.linear.scatter [tilespmem:s15], [sflag:$0x4], $0x8000, $0x38;
	[tilespmem:$0x18200] =	vst v63  }
.Ltmp1:
0x98: {  	_ =	swait.ge [sflag:s13], $0x8000;
	(pc) =	sbr.rel @p0 .LBB2_1-.Ltmp1, $4  }
0x99: {  	[sflag:s13] =	ssyncset.done $0x0  }
0x9a: {  	[sflag:s13] =	ssyncadd.s32 $0xFFFF8000  }
0x9b: {  	_ =	swait.ge [sflag:s17], $0x8000  }
0x9c: {  	[sflag:s17] =	ssyncset.done $0x0  }
.LBB2_2:
0x9d: {  	[sflag:s17] =	ssyncadd.s32 $0xFFFF8000  }
0x9e: {  	_ =	sfence.sel $0x180000  }
0x9f: {  	[bflag:$0x0] =	sbarrier.arrive $0xFFFF  }
0xa0: {  	_ =	strace $0x90000047  }
0xa1: {  	[bflag:$0x2] =	sbarrier.arrive $0xFFFF  }
0xa2: {  	p0 =	sne.s32 s1, $0x0;
	s0 =	rddreg [dreg:$0x4]  }
0xa3: {  	s0 =	sadd.s32 @!p0 $0x100000, s0  }
0xa4: {  	[sflag:s0] =	ssyncadd.tile.s32 @!p0 $0x1;
	_ =	shalt  }
.Lfunc_end2:
_tile_overlayer_lowered:
.L_overlay_start_2:
0xa5: {  	(tag) =	ssettag $0x2  }
0xa6: {  	s0 =	rddreg [dreg:$0x0];
	s2 =	stileid.u32  }
0xa7: {  	s1 =	rddreg [dreg:$0x1];
	p0 =	sne.s32 s2, $0x0  }
0xa8: {  	s3 =	rddreg [dreg:$0x2];
	[bflag:$0x3] =	sbarrier.arrive $0xFFFF;
	s2 =	simm.s32 @!p0 $0x1C05  }
0xa9: {  	[timem:s3], [sflag:s2] =	dma.local @!p0 [hbm:s0], s1  }
0xaa: {  	s0 =	simm.s32 @!p0 $0x5  }
0xab: {  	_ =	swait.ge @!p0 [sflag:s0], s1  }
0xac: {  	s1 =	ssub.s32 @!p0 $0x0, s1;
	[sflag:s0] =	ssyncset.done @!p0 $0x0  }
0xad: {  	[sflag:s0] =	ssyncadd.s32 @!p0 s1  }
0xae: {  	[bflag:$0x3] =	sbarrier.arrive $0xFFFF  }
0xaf: {  	_ =	shalt  }

</sc_bundles>
